<compile_context>
chip_gen: v7x
topology: tpu7x:2x2x1
jax: 0.10.2.dev20260603
libtpu: 0.0.44.dev20260713+nightly
codegen_flags: <defaults>
</compile_context>

<pallas_src>
import functools

import jax
import jax.numpy as jnp
from jax import lax
from jax.experimental import pallas as pl
from jax.experimental.pallas import tpu as pltpu
from jax.experimental.pallas import tpu_sc as plsc

B, L, EMB = 16384, 50, 32
N_TOTAL = B * L
PAD = 128
NUM_CORES = 2
NW = 32
CHUNK = 1600
B_PER_W = N_TOTAL // NW
N_CHUNKS = B_PER_W // CHUNK


@jax.jit
def _sc_gather(ids_flat, table):
    mesh = plsc.VectorSubcoreMesh(core_axis_name="c", subcore_axis_name="s")

    @functools.partial(
        pl.kernel,
        mesh=mesh,
        out_type=jax.ShapeDtypeStruct((N_TOTAL, PAD), jnp.float32),
        scratch_types=[
            pltpu.VMEM((CHUNK,), jnp.int32),
            pltpu.VMEM((CHUNK,), jnp.int32),
            pltpu.VMEM((CHUNK, EMB), jnp.float32),
            pltpu.VMEM((CHUNK, EMB), jnp.float32),
            pltpu.SemaphoreType.DMA,
            pltpu.SemaphoreType.DMA,
            pltpu.SemaphoreType.DMA,
            pltpu.SemaphoreType.DMA,
            pltpu.SemaphoreType.DMA,
        ],
        compiler_params=pltpu.CompilerParams(use_tc_tiling_on_sc=False),
    )
    def k(ids_hbm, table_hbm, out_hbm, idx0, idx1, rows0, rows1,
          si0, si1, ss0, ss1, sg):
        idx = (idx0, idx1)
        rows = (rows0, rows1)
        si = (si0, si1)
        ss = (ss0, ss1)

        wid = lax.axis_index("s") * NUM_CORES + lax.axis_index("c")
        base = wid * B_PER_W

        def ids_slice(c):
            return ids_hbm.at[pl.ds(base + c * CHUNK, CHUNK)]

        def out_slice(c):
            return out_hbm.at[pl.ds(base + c * CHUNK, CHUNK), pl.ds(0, EMB)]

        pltpu.async_copy(ids_slice(0), idx[0], si[0])
        pltpu.async_copy(ids_slice(1), idx[1], si[1])

        def pair_body(g, _):
            for b in range(2):
                c = g * 2 + b
                pltpu.make_async_copy(ids_slice(c), idx[b], si[b]).wait()
                @pl.when(c >= 2)
                def _():
                    pltpu.make_async_copy(rows[b], out_slice(c), ss[b]).wait()
                pltpu.async_copy(table_hbm.at[idx[b]], rows[b], sg).wait()
                pltpu.async_copy(rows[b], out_slice(c), ss[b])
                @pl.when(c <= N_CHUNKS - 3)
                def _():
                    pltpu.async_copy(ids_slice(c + 2), idx[b], si[b])
            return 0

        lax.fori_loop(0, N_CHUNKS // 2, pair_body, 0)

        pltpu.make_async_copy(rows[0], out_slice(N_CHUNKS - 2), ss[0]).wait()
        pltpu.make_async_copy(rows[1], out_slice(N_CHUNKS - 1), ss[1]).wait()

    return k(ids_flat, table)


def kernel(enum_ids, emb_table):
    ids_flat = enum_ids.reshape(-1).astype(jnp.int32)
    y = _sc_gather(ids_flat, emb_table)
    return y[:, :EMB].reshape(B, L, EMB)

# --- scband reference (transcript-rebuilt; emitter-appended) ---
"""Pipeline reference for scband-enum-embedding-29583734734983 (READ-ONLY COPY).

The authoritative reference and input builder live on the scoring server;
editing this copy changes nothing except your own understanding.
"""

import jax, jax.numpy as jnp
import numpy as np

VOC_DIM = 1000000
EMB_DIM = 32
PAD_IDX = 0

def setup_inputs(seed: int = 0) -> dict:
    key = jax.random.key(seed)
    k_ids, k_emb = jax.random.split(key)
    enum_ids = jax.random.randint(k_ids, (16384, 50), 0, VOC_DIM, dtype=jnp.int64 if jax.config.jax_enable_x64 else jnp.int32)
    emb_table = jax.random.normal(k_emb, (VOC_DIM, EMB_DIM), dtype=jnp.float32) * 0.02
    # nn.Embedding with padding_idx zeroes the padding row
    emb_table = emb_table.at[PAD_IDX].set(0.0)
    return {"enum_ids": enum_ids, "emb_table": emb_table}

def reference(enum_ids, emb_table):
    # Faithful translation of nn.Embedding lookup: out[b, l, :] = table[ids[b, l], :]
    return jnp.take(emb_table, enum_ids, axis=0)

if __name__ == "__main__":
    import jax
    _d = setup_inputs()
    print(jax.jit(kernel)(*tuple(_d.values())))

</pallas_src>

<mosaic_0001>
#map = affine_map<(d0, d1) -> (0)>
#map1 = affine_map<(d0, d1) -> (0, 0)>
module attributes {stable_mosaic.version = 14 : i64} {
  func.func @k(%arg0: i32, %arg1: i32, %arg2: memref<819200xi32, #tpu.memory_space<hbm>>, %arg3: memref<1000000x32xf32, #tpu.memory_space<hbm>>, %arg4: memref<819200x128xf32, #tpu.memory_space<hbm>>, %arg5: memref<1600xi32, #tpu.memory_space<vmem>>, %arg6: memref<1600xi32, #tpu.memory_space<vmem>>, %arg7: memref<1600x32xf32, #tpu.memory_space<vmem>>, %arg8: memref<1600x32xf32, #tpu.memory_space<vmem>>, %arg9: memref<!tpu.dma_semaphore, #tpu.memory_space<semaphore_mem>>, %arg10: memref<!tpu.dma_semaphore, #tpu.memory_space<semaphore_mem>>, %arg11: memref<!tpu.dma_semaphore, #tpu.memory_space<semaphore_mem>>, %arg12: memref<!tpu.dma_semaphore, #tpu.memory_space<semaphore_mem>>, %arg13: memref<!tpu.dma_semaphore, #tpu.memory_space<semaphore_mem>>) attributes {dimension_semantics = [#tpu.dimension_semantics<core_parallel>, #tpu.dimension_semantics<subcore_parallel>], iteration_bounds = array<i64: 2, 16>, scalar_prefetch = 0 : i64, scratch_operands = 9 : i64, tpu.core_type = #tpu.core_type<sc_vector_subcore>, window_params = [{transform_indices = #map}, {transform_indices = #map1}, {transform_indices = #map1}]} {
    %mul3A = arith.constant 2 : i32
    %mul3A_0 = arith.muli %arg1, %mul3A : i32
    %add3A = arith.addi %mul3A_0, %arg0 : i32
    %mul3A_1 = arith.constant 25600 : i32
    %mul3A_2 = arith.muli %add3A, %mul3A_1 : i32
    %add3A_3 = arith.constant 0 : i32
    %add3A_4 = arith.addi %mul3A_2, %add3A_3 : i32
    %dma_start3A = tpu.memref_slice %arg2[%add3A_4] : memref<819200xi32, #tpu.memory_space<hbm>> -> memref<1600xi32, #tpu.memory_space<hbm>>
    %dma_start3A_5 = tpu.memref_slice %arg2[%add3A_4] : memref<819200xi32, #tpu.memory_space<hbm>> -> memref<1600xi32, #tpu.memory_space<hbm>>
    tpu.enqueue_dma source(%dma_start3A_5 : memref<1600xi32, #tpu.memory_space<hbm>>) target(%arg5 : memref<1600xi32, #tpu.memory_space<vmem>>) target_semaphore(%arg9 : memref<!tpu.dma_semaphore, #tpu.memory_space<semaphore_mem>>)
    %add3A_6 = arith.constant 1600 : i32
    %add3A_7 = arith.addi %mul3A_2, %add3A_6 : i32
    %dma_start3A_8 = tpu.memref_slice %arg2[%add3A_7] : memref<819200xi32, #tpu.memory_space<hbm>> -> memref<1600xi32, #tpu.memory_space<hbm>>
    %dma_start3A_9 = tpu.memref_slice %arg2[%add3A_7] : memref<819200xi32, #tpu.memory_space<hbm>> -> memref<1600xi32, #tpu.memory_space<hbm>>
    tpu.enqueue_dma source(%dma_start3A_9 : memref<1600xi32, #tpu.memory_space<hbm>>) target(%arg6 : memref<1600xi32, #tpu.memory_space<vmem>>) target_semaphore(%arg10 : memref<!tpu.dma_semaphore, #tpu.memory_space<semaphore_mem>>)
    %scan3A = arith.constant 0 : i32
    %scan3A_10 = arith.constant 0 : i32
    %scan3A_11 = arith.constant 8 : i32
    %scan3A_12 = arith.addi %scan3A_10, %scan3A_11 : i32
    %scan3A_13 = arith.constant 1 : i32
    %scan3A_14 = scf.for %scan3A_27 = %scan3A_10 to %scan3A_12 step %scan3A_13 iter_args(%scan3A_28 = %scan3A) -> (i32)  : i32 {
      %mul3A_29 = arith.constant 2 : i32
      %mul3A_30 = arith.muli %scan3A_27, %mul3A_29 : i32
      %add3A_31 = arith.constant 0 : i32
      %add3A_32 = arith.addi %mul3A_30, %add3A_31 : i32
      %mul3A_33 = arith.constant 1600 : i32
      %mul3A_34 = arith.muli %add3A_32, %mul3A_33 : i32
      %add3A_35 = arith.addi %mul3A_2, %mul3A_34 : i32
      %dma_wait3A_36 = tpu.memref_slice %arg2[%add3A_35] : memref<819200xi32, #tpu.memory_space<hbm>> -> memref<1600xi32, #tpu.memory_space<hbm>>
      %dma_wait3A_37 = tpu.memref_slice %arg2[%add3A_35] : memref<819200xi32, #tpu.memory_space<hbm>> -> memref<1600xi32, #tpu.memory_space<hbm>>
      tpu.wait_dma2 semaphore(%arg9 : memref<!tpu.dma_semaphore, #tpu.memory_space<semaphore_mem>>) src(%dma_wait3A_37 : memref<1600xi32, #tpu.memory_space<hbm>>) dst(%arg5 : memref<1600xi32, #tpu.memory_space<vmem>>)
      %ge3A = arith.constant 2 : i32
      %ge3A_38 = arith.cmpi sge, %add3A_32, %ge3A : i32
      %convert_element_type3A = arith.extui %ge3A_38 : i1 to i32
      %cond3A = arith.constant 0 : i32
      %cond3A_39 = arith.cmpi ne, %convert_element_type3A, %cond3A : i32
      scf.if %cond3A_39 {
        %mul3A_90 = arith.constant 1600 : i32
        %mul3A_91 = arith.muli %add3A_32, %mul3A_90 : i32
        %add3A_92 = arith.addi %mul3A_2, %mul3A_91 : i32
        %dma_wait3A_93 = arith.constant 0 : i32
        %dma_wait3A_94 = tpu.memref_slice %arg4[%add3A_92, %dma_wait3A_93] : memref<819200x128xf32, #tpu.memory_space<hbm>> -> memref<1600x32xf32, #tpu.memory_space<hbm>>
        %dma_wait3A_95 = arith.constant 0 : i32
        %dma_wait3A_96 = tpu.memref_slice %arg4[%add3A_92, %dma_wait3A_95] : memref<819200x128xf32, #tpu.memory_space<hbm>> -> memref<1600x32xf32, #tpu.memory_space<hbm>>
        tpu.wait_dma2 semaphore(%arg11 : memref<!tpu.dma_semaphore, #tpu.memory_space<semaphore_mem>>) src(%arg7 : memref<1600x32xf32, #tpu.memory_space<vmem>>) dst(%dma_wait3A_96 : memref<1600x32xf32, #tpu.memory_space<hbm>>)
      } else {
      }
      %dma_start3A_40 = arith.constant 0 : i32
      %dma_start3A_41 = arith.constant 0 : i32
      %dma_start3A_42 = tpu.memref_slice %arg3[%dma_start3A_40, %dma_start3A_41] : memref<1000000x32xf32, #tpu.memory_space<hbm>> -> memref<1000000x32xf32, #tpu.memory_space<hbm>>
      tpu.enqueue_indirect_dma source(%dma_start3A_42 : memref<1000000x32xf32, #tpu.memory_space<hbm>>) target(%arg7 : memref<1600x32xf32, #tpu.memory_space<vmem>>) offsets(%arg5 : memref<1600xi32, #tpu.memory_space<vmem>>) semaphore(%arg13 : memref<!tpu.dma_semaphore, #tpu.memory_space<semaphore_mem>>)
      %dma_wait3A_43 = arith.constant 0 : i32
      %dma_wait3A_44 = arith.constant 0 : i32
      %dma_wait3A_45 = tpu.memref_slice %arg3[%dma_wait3A_43, %dma_wait3A_44] : memref<1000000x32xf32, #tpu.memory_space<hbm>> -> memref<1000000x32xf32, #tpu.memory_space<hbm>>
      tpu.wait_indirect_dma semaphore(%arg13 : memref<!tpu.dma_semaphore, #tpu.memory_space<semaphore_mem>>) src(%dma_wait3A_45 : memref<1000000x32xf32, #tpu.memory_space<hbm>>) dst(%arg7 : memref<1600x32xf32, #tpu.memory_space<vmem>>)
      %mul3A_46 = arith.constant 1600 : i32
      %mul3A_47 = arith.muli %add3A_32, %mul3A_46 : i32
      %add3A_48 = arith.addi %mul3A_2, %mul3A_47 : i32
      %dma_start3A_49 = arith.constant 0 : i32
      %dma_start3A_50 = tpu.memref_slice %arg4[%add3A_48, %dma_start3A_49] : memref<819200x128xf32, #tpu.memory_space<hbm>> -> memref<1600x32xf32, #tpu.memory_space<hbm>>
      %dma_start3A_51 = arith.constant 0 : i32
      %dma_start3A_52 = tpu.memref_slice %arg4[%add3A_48, %dma_start3A_51] : memref<819200x128xf32, #tpu.memory_space<hbm>> -> memref<1600x32xf32, #tpu.memory_space<hbm>>
      tpu.enqueue_dma source(%arg7 : memref<1600x32xf32, #tpu.memory_space<vmem>>) target(%dma_start3A_52 : memref<1600x32xf32, #tpu.memory_space<hbm>>) target_semaphore(%arg11 : memref<!tpu.dma_semaphore, #tpu.memory_space<semaphore_mem>>)
      %le3A = arith.constant 13 : i32
      %le3A_53 = arith.cmpi sle, %add3A_32, %le3A : i32
      %convert_element_type3A_54 = arith.extui %le3A_53 : i1 to i32
      %cond3A_55 = arith.constant 0 : i32
      %cond3A_56 = arith.cmpi ne, %convert_element_type3A_54, %cond3A_55 : i32
      scf.if %cond3A_56 {
        %add3A_90 = arith.constant 2 : i32
        %add3A_91 = arith.addi %add3A_32, %add3A_90 : i32
        %mul3A_92 = arith.constant 1600 : i32
        %mul3A_93 = arith.muli %add3A_91, %mul3A_92 : i32
        %add3A_94 = arith.addi %mul3A_2, %mul3A_93 : i32
        %dma_start3A_95 = tpu.memref_slice %arg2[%add3A_94] : memref<819200xi32, #tpu.memory_space<hbm>> -> memref<1600xi32, #tpu.memory_space<hbm>>
        %dma_start3A_96 = tpu.memref_slice %arg2[%add3A_94] : memref<819200xi32, #tpu.memory_space<hbm>> -> memref<1600xi32, #tpu.memory_space<hbm>>
        tpu.enqueue_dma source(%dma_start3A_96 : memref<1600xi32, #tpu.memory_space<hbm>>) target(%arg5 : memref<1600xi32, #tpu.memory_space<vmem>>) target_semaphore(%arg9 : memref<!tpu.dma_semaphore, #tpu.memory_space<semaphore_mem>>)
      } else {
      }
      %mul3A_57 = arith.constant 2 : i32
      %mul3A_58 = arith.muli %scan3A_27, %mul3A_57 : i32
      %add3A_59 = arith.constant 1 : i32
      %add3A_60 = arith.addi %mul3A_58, %add3A_59 : i32
      %mul3A_61 = arith.constant 1600 : i32
      %mul3A_62 = arith.muli %add3A_60, %mul3A_61 : i32
      %add3A_63 = arith.addi %mul3A_2, %mul3A_62 : i32
      %dma_wait3A_64 = tpu.memref_slice %arg2[%add3A_63] : memref<819200xi32, #tpu.memory_space<hbm>> -> memref<1600xi32, #tpu.memory_space<hbm>>
      %dma_wait3A_65 = tpu.memref_slice %arg2[%add3A_63] : memref<819200xi32, #tpu.memory_space<hbm>> -> memref<1600xi32, #tpu.memory_space<hbm>>
      tpu.wait_dma2 semaphore(%arg10 : memref<!tpu.dma_semaphore, #tpu.memory_space<semaphore_mem>>) src(%dma_wait3A_65 : memref<1600xi32, #tpu.memory_space<hbm>>) dst(%arg6 : memref<1600xi32, #tpu.memory_space<vmem>>)
      %ge3A_66 = arith.constant 2 : i32
      %ge3A_67 = arith.cmpi sge, %add3A_60, %ge3A_66 : i32
      %convert_element_type3A_68 = arith.extui %ge3A_67 : i1 to i32
      %cond3A_69 = arith.constant 0 : i32
      %cond3A_70 = arith.cmpi ne, %convert_element_type3A_68, %cond3A_69 : i32
      scf.if %cond3A_70 {
        %mul3A_90 = arith.constant 1600 : i32
        %mul3A_91 = arith.muli %add3A_60, %mul3A_90 : i32
        %add3A_92 = arith.addi %mul3A_2, %mul3A_91 : i32
        %dma_wait3A_93 = arith.constant 0 : i32
        %dma_wait3A_94 = tpu.memref_slice %arg4[%add3A_92, %dma_wait3A_93] : memref<819200x128xf32, #tpu.memory_space<hbm>> -> memref<1600x32xf32, #tpu.memory_space<hbm>>
        %dma_wait3A_95 = arith.constant 0 : i32
        %dma_wait3A_96 = tpu.memref_slice %arg4[%add3A_92, %dma_wait3A_95] : memref<819200x128xf32, #tpu.memory_space<hbm>> -> memref<1600x32xf32, #tpu.memory_space<hbm>>
        tpu.wait_dma2 semaphore(%arg12 : memref<!tpu.dma_semaphore, #tpu.memory_space<semaphore_mem>>) src(%arg8 : memref<1600x32xf32, #tpu.memory_space<vmem>>) dst(%dma_wait3A_96 : memref<1600x32xf32, #tpu.memory_space<hbm>>)
      } else {
      }
      %dma_start3A_71 = arith.constant 0 : i32
      %dma_start3A_72 = arith.constant 0 : i32
      %dma_start3A_73 = tpu.memref_slice %arg3[%dma_start3A_71, %dma_start3A_72] : memref<1000000x32xf32, #tpu.memory_space<hbm>> -> memref<1000000x32xf32, #tpu.memory_space<hbm>>
      tpu.enqueue_indirect_dma source(%dma_start3A_73 : memref<1000000x32xf32, #tpu.memory_space<hbm>>) target(%arg8 : memref<1600x32xf32, #tpu.memory_space<vmem>>) offsets(%arg6 : memref<1600xi32, #tpu.memory_space<vmem>>) semaphore(%arg13 : memref<!tpu.dma_semaphore, #tpu.memory_space<semaphore_mem>>)
      %dma_wait3A_74 = arith.constant 0 : i32
      %dma_wait3A_75 = arith.constant 0 : i32
      %dma_wait3A_76 = tpu.memref_slice %arg3[%dma_wait3A_74, %dma_wait3A_75] : memref<1000000x32xf32, #tpu.memory_space<hbm>> -> memref<1000000x32xf32, #tpu.memory_space<hbm>>
      tpu.wait_indirect_dma semaphore(%arg13 : memref<!tpu.dma_semaphore, #tpu.memory_space<semaphore_mem>>) src(%dma_wait3A_76 : memref<1000000x32xf32, #tpu.memory_space<hbm>>) dst(%arg8 : memref<1600x32xf32, #tpu.memory_space<vmem>>)
      %mul3A_77 = arith.constant 1600 : i32
      %mul3A_78 = arith.muli %add3A_60, %mul3A_77 : i32
      %add3A_79 = arith.addi %mul3A_2, %mul3A_78 : i32
      %dma_start3A_80 = arith.constant 0 : i32
      %dma_start3A_81 = tpu.memref_slice %arg4[%add3A_79, %dma_start3A_80] : memref<819200x128xf32, #tpu.memory_space<hbm>> -> memref<1600x32xf32, #tpu.memory_space<hbm>>
      %dma_start3A_82 = arith.constant 0 : i32
      %dma_start3A_83 = tpu.memref_slice %arg4[%add3A_79, %dma_start3A_82] : memref<819200x128xf32, #tpu.memory_space<hbm>> -> memref<1600x32xf32, #tpu.memory_space<hbm>>
      tpu.enqueue_dma source(%arg8 : memref<1600x32xf32, #tpu.memory_space<vmem>>) target(%dma_start3A_83 : memref<1600x32xf32, #tpu.memory_space<hbm>>) target_semaphore(%arg12 : memref<!tpu.dma_semaphore, #tpu.memory_space<semaphore_mem>>)
      %le3A_84 = arith.constant 13 : i32
      %le3A_85 = arith.cmpi sle, %add3A_60, %le3A_84 : i32
      %convert_element_type3A_86 = arith.extui %le3A_85 : i1 to i32
      %cond3A_87 = arith.constant 0 : i32
      %cond3A_88 = arith.cmpi ne, %convert_element_type3A_86, %cond3A_87 : i32
      scf.if %cond3A_88 {
        %add3A_90 = arith.constant 2 : i32
        %add3A_91 = arith.addi %add3A_60, %add3A_90 : i32
        %mul3A_92 = arith.constant 1600 : i32
        %mul3A_93 = arith.muli %add3A_91, %mul3A_92 : i32
        %add3A_94 = arith.addi %mul3A_2, %mul3A_93 : i32
        %dma_start3A_95 = tpu.memref_slice %arg2[%add3A_94] : memref<819200xi32, #tpu.memory_space<hbm>> -> memref<1600xi32, #tpu.memory_space<hbm>>
        %dma_start3A_96 = tpu.memref_slice %arg2[%add3A_94] : memref<819200xi32, #tpu.memory_space<hbm>> -> memref<1600xi32, #tpu.memory_space<hbm>>
        tpu.enqueue_dma source(%dma_start3A_96 : memref<1600xi32, #tpu.memory_space<hbm>>) target(%arg6 : memref<1600xi32, #tpu.memory_space<vmem>>) target_semaphore(%arg10 : memref<!tpu.dma_semaphore, #tpu.memory_space<semaphore_mem>>)
      } else {
      }
      %scan3A_89 = arith.constant 0 : i32
      scf.yield %scan3A_89 : i32
    }
    %scan3A_15 = arith.constant 8 : i32
    %add3A_16 = arith.constant 22400 : i32
    %add3A_17 = arith.addi %mul3A_2, %add3A_16 : i32
    %dma_wait3A = arith.constant 0 : i32
    %dma_wait3A_18 = tpu.memref_slice %arg4[%add3A_17, %dma_wait3A] : memref<819200x128xf32, #tpu.memory_space<hbm>> -> memref<1600x32xf32, #tpu.memory_space<hbm>>
    %dma_wait3A_19 = arith.constant 0 : i32
    %dma_wait3A_20 = tpu.memref_slice %arg4[%add3A_17, %dma_wait3A_19] : memref<819200x128xf32, #tpu.memory_space<hbm>> -> memref<1600x32xf32, #tpu.memory_space<hbm>>
    tpu.wait_dma2 semaphore(%arg11 : memref<!tpu.dma_semaphore, #tpu.memory_space<semaphore_mem>>) src(%arg7 : memref<1600x32xf32, #tpu.memory_space<vmem>>) dst(%dma_wait3A_20 : memref<1600x32xf32, #tpu.memory_space<hbm>>)
    %add3A_21 = arith.constant 24000 : i32
    %add3A_22 = arith.addi %mul3A_2, %add3A_21 : i32
    %dma_wait3A_23 = arith.constant 0 : i32
    %dma_wait3A_24 = tpu.memref_slice %arg4[%add3A_22, %dma_wait3A_23] : memref<819200x128xf32, #tpu.memory_space<hbm>> -> memref<1600x32xf32, #tpu.memory_space<hbm>>
    %dma_wait3A_25 = arith.constant 0 : i32
    %dma_wait3A_26 = tpu.memref_slice %arg4[%add3A_22, %dma_wait3A_25] : memref<819200x128xf32, #tpu.memory_space<hbm>> -> memref<1600x32xf32, #tpu.memory_space<hbm>>
    tpu.wait_dma2 semaphore(%arg12 : memref<!tpu.dma_semaphore, #tpu.memory_space<semaphore_mem>>) src(%arg8 : memref<1600x32xf32, #tpu.memory_space<vmem>>) dst(%dma_wait3A_26 : memref<1600x32xf32, #tpu.memory_space<hbm>>)
    return
  }
}

</mosaic_0001>

<sc_bundles>
// kernel: _sc_gather.3.cloned.1.call-start
scs
__scs_entry_jumppad:
0x0: {  	(pc) =	sbr.rel $0x88, $3  }
0x1: {  	(tag) =	ssettag $0x0;
	lr =	simm.s32 $0x1  }
0x2: {  	[smem:$0x3F9F] =	sst lr;
	_ =	strace $0xD0000000  }
0x3: {  	_ = 	snop  }
0x4: {  	_ = 	snop  }
0x5: {  	_ = 	snop  }
0x6: {  	_ = 	snop  }
0x7: {  	_ = 	snop  }
__scs_overlays_trampoline_lowered:
0x8: {  	[smem:$0x3FAE] =	sst s0  }
0x9: {  	[smem:$0x3FAF] =	sst s1  }
0xa: {  	[smem:$0x3FB0] =	sst s2  }
0xb: {  	[smem:$0x3FB1] =	sst s3  }
0xc: {  	[smem:$0x3FB2] =	sst s4  }
0xd: {  	[smem:$0x3FB3] =	sst s5  }
0xe: {  	[smem:$0x3FB4] =	sst s6  }
0xf: {  	[smem:$0x3FB5] =	sst s7  }
0x10: {  	[smem:$0x3FB6] =	sst s8  }
0x11: {  	[smem:$0x3FB7] =	sst s9;
	s0 =	simm.s32 @!p0 $0x0  }
0x12: {  	s1 =	sld [smem:$0x3F9D];
	s0 =	simm.s32 @p0 $0x1  }
0x13: {  	[smem:$0x3FB8] =	sst s0;
	s0 =	simm.s32 @!p1 $0x0  }
0x14: {  	s2 =	sld [smem:$0x3F9C];
	s0 =	simm.s32 @p1 $0x1  }
0x15: {  	[smem:$0x3FB9] =	sst s0;
	s0 =	simm.s32 @!p2 $0x0  }
0x16: {  	s3 =	sld [smem:$0x3FDB];
	s0 =	simm.s32 @p2 $0x1  }
0x17: {  	s4 =	simm.s32 $0x1BF5;
	[smem:$0x3FBB] =	sst s0  }
0x18: {  	s0 =	sld [smem:$0x3F9E];
	_ =	swait.ge [sflag:s4], $0x0  }
0x19: {  	s7 =	sld [smem:$0x3F9F]  }
0x1a: {  	s8 =	sadd.s32 $0xFFFFE003, lr  }
0x1b: {  	s9 =	sadd.s32 $0xFFFFFEF7, lr;
	s5 =	simm.s32 $0xFFFFFFFF;
	p2 =	slt.u32 s8, $0xFFFFF086  }
0x1c: {  	p1 =	slt.u32 s9, $0xF7A;
	s5 =	simm.s32 @!p2 $0x0  }
0x1d: {  	s5 =	simm.s32 @p1 $0x1;
	p0 =	seq.s32 s7, s2  }
0x1e: {  	s7 =	smul.u32 @!p0 $0xF7A, s2;
	p2 =	seq.s32 @!p0 s5, $0x0  }
0x1f: {  	s9 =	smul.u32 $0xF7A, s1;
	s8 =	simm.s32 @!p0 $0x1BF5;
	p2 =	por !p2, p0  }
0x20: {  	[sflag:s8] =	ssyncset.s32 @!p0 $0xFFFFF086;
	s6 =	sadd.s32 @!p0 s3, s7;
	s7 =	simm.s32 @!p0 $0x108  }
0x21: {  	s3 =	sadd.s32 s3, s9;
	s6 =	sadd.s32 @!p0 $0x88, s6;
	s7 =	simm.s32 @p2 $0x1082  }
0x22: {  	[simem:s7], [sflag:s8] =	dma.local @!p0 [hbm:s6], $0xF7A  }
0x23: {  	s9 =	sor.u32 $0xD0000000, s2;
	s6 =	simm.s32 $0x108;
	_ =	swait.ge @!p0 [sflag:s8], $0x0  }
0x24: {  	s3 =	sadd.s32 $0x88, s3;
	s6 =	simm.s32 @!p1 $0x1082;
	[sflag:s4] =	ssyncset.s32 $0xFFFFF086  }
0x25: {  	[simem:s6], [sflag:s4] =	dma.local [hbm:s3], $0xF7A  }
0x26: {  	[smem:$0x3F9F] =	sst s1;
	(tag) =	ssettag s2;
	_ =	strace s9  }
0x27: {  	s1 =	sld [smem:$0x3FAF]  }
0x28: {  	s2 =	sld [smem:$0x3FB0]  }
0x29: {  	s4 =	sld [smem:$0x3FB2]  }
0x2a: {  	p0 =	seq.s32 s5, $0x0;
	s5 =	sld [smem:$0x3FB3]  }
0x2b: {  	s6 =	sld [smem:$0x3FB4]  }
0x2c: {  	s7 =	sld [smem:$0x3FB5]  }
0x2d: {  	s3 =	simm.s32 $0x108;
	s8 =	sld [smem:$0x3FB6]  }
0x2e: {  	s3 =	simm.s32 @!p0 $0x1082;
	s9 =	sld [smem:$0x3FB7]  }
0x2f: {  	lr =	sadd.s32 s0, s3;
	s0 =	sld [smem:$0x3FAE]  }
0x30: {  	s3 =	sld [smem:$0x3FB1]  }
0x31: {  	[smem:$0x3FBA] =	sst s10  }
0x32: {  	s10 =	sld [smem:$0x3FB8];
	_ =	sdelay $0x3  }
0x33: {  	p0 =	seq.s32 s10, $0x1;
	s10 =	sld [smem:$0x3FBA];
	_ =	sdelay $0x3  }
0x34: {  	[smem:$0x3FBA] =	sst s10  }
0x35: {  	s10 =	sld [smem:$0x3FB9];
	_ =	sdelay $0x3  }
0x36: {  	p1 =	seq.s32 s10, $0x1;
	s10 =	sld [smem:$0x3FBA];
	_ =	sdelay $0x3  }
0x37: {  	[smem:$0x3FBA] =	sst s10  }
0x38: {  	s10 =	sld [smem:$0x3FBB]  }
0x39: {  	_ = 	snop;
	(pc) =	sbr.ind lr, $3  }
0x3a: {  	_ = 	snop  }
0x3b: {  	_ = 	snop  }
0x3c: {  	p2 =	seq.s32 s10, $0x1;
	s10 =	sld [smem:$0x3FBA]  }
0x3d: {  	_ =	shalt  }
0x3e: {  	_ =	shalt  }
0x3f: {  	_ =	shalt  }
0x40: {  	_ =	shalt  }
0x41: {  	_ =	shalt  }
0x42: {  	_ =	shalt  }
0x43: {  	_ =	shalt  }
0x44: {  	_ =	shalt  }
0x45: {  	_ =	shalt  }
0x46: {  	_ =	shalt  }
0x47: {  	_ =	shalt  }
0x48: {  	_ =	shalt  }
0x49: {  	_ =	shalt  }
0x4a: {  	_ =	shalt  }
0x4b: {  	_ =	shalt  }
0x4c: {  	_ =	shalt  }
0x4d: {  	_ =	shalt  }
0x4e: {  	_ =	shalt  }
0x4f: {  	_ =	shalt  }
0x50: {  	_ =	shalt  }
0x51: {  	_ =	shalt  }
0x52: {  	_ =	shalt  }
0x53: {  	_ =	shalt  }
0x54: {  	_ =	shalt  }
0x55: {  	_ =	shalt  }
0x56: {  	_ =	shalt  }
0x57: {  	_ =	shalt  }
0x58: {  	_ =	shalt  }
0x59: {  	_ =	shalt  }
0x5a: {  	_ =	shalt  }
0x5b: {  	_ =	shalt  }
0x5c: {  	_ =	shalt  }
0x5d: {  	_ =	shalt  }
0x5e: {  	_ =	shalt  }
0x5f: {  	_ =	shalt  }
0x60: {  	_ =	shalt  }
0x61: {  	_ =	shalt  }
0x62: {  	_ =	shalt  }
0x63: {  	_ =	shalt  }
0x64: {  	_ =	shalt  }
0x65: {  	_ =	shalt  }
0x66: {  	_ =	shalt  }
0x67: {  	_ =	shalt  }
0x68: {  	_ =	shalt  }
0x69: {  	_ =	shalt  }
0x6a: {  	_ =	shalt  }
0x6b: {  	_ =	shalt  }
0x6c: {  	_ =	shalt  }
0x6d: {  	_ =	shalt  }
0x6e: {  	_ =	shalt  }
0x6f: {  	_ =	shalt  }
0x70: {  	_ =	shalt  }
0x71: {  	_ =	shalt  }
0x72: {  	_ =	shalt  }
0x73: {  	_ =	shalt  }
0x74: {  	_ =	shalt  }
0x75: {  	_ =	shalt  }
0x76: {  	_ =	shalt  }
0x77: {  	_ =	shalt  }
0x78: {  	_ =	shalt  }
0x79: {  	_ =	shalt  }
0x7a: {  	_ =	shalt  }
0x7b: {  	_ =	shalt  }
0x7c: {  	_ =	shalt  }
0x7d: {  	_ =	shalt  }
0x7e: {  	_ =	shalt  }
0x7f: {  	_ =	shalt  }
0x80: {  	_ =	shalt  }
0x81: {  	_ =	shalt  }
0x82: {  	_ =	shalt  }
0x83: {  	_ =	shalt  }
0x84: {  	_ =	shalt  }
0x85: {  	_ =	shalt  }
0x86: {  	_ =	shalt  }
0x87: {  	_ =	shalt  }
.Lfunc_end0:
.L_simem_size_0:
called_computation_lowered:
.L_overlay_start_0:
0x88: {  	s2 =	sld [smem:$0x3FD9]  }
0x89: {  	s3 =	sld [smem:$0x3FFE];
	_ =	sdelay $0x1  }
0x8a: {  	s1 =	srdreg.scid  }
0x8b: {  	s0 =	sand.u32 $0x1, s1  }
0x8c: {  	s17 =	sshll.u32 s0, $0xA;
	s2 =	sadd.s32 s3, s2  }
0x8d: {  	s2 =	sadd.s32 s2, s17  }
0x8e: {  	[smem:$0x3FC6] =	sst s2  }
0x8f: {  	_ = 	snop  }
0x90: {  	s2 =	sld [smem:$0x3FC9]  }
0x91: {  	s18 =	sld [smem:$0x3FD0];
	(tm) =	ssettm $0x1  }
0x92: {  	s4 =	sld [smem:$0x3FFB];
	_ =	sdelay $0x3  }
0x93: {  	_ =	strace s4  }
0x94: {  	s4 =	sld [smem:$0x3FFC];
	_ =	sdelay $0x3  }
0x95: {  	_ =	strace s4  }
0x96: {  	s4 =	sld [smem:$0x3FFD];
	_ =	sdelay $0x3  }
0x97: {  	_ =	strace s4  }
0x98: {  	_ =	strace $0x8FFFFFFF  }
0x99: {  	s19 =	sld [smem:$0x3FDB];
	_ =	sdelay $0x1  }
0x9a: {  	s5 =	simm.s32 $_scs_section_size  }
0x9b: {  	s6 =	simm.s32 $_size__tile_overlayer_lowered;
	s7 =	simm.s32 $_tile_overlayer_lowered  }
0x9c: {  	s22 =	simm.s32 $0x1BFF;
	s21 =	sshll.u32 s7, $0x1;
	s4 =	sadd.s32 s5, s19  }
0x9d: {  	s8 =	simm.s32 $0x0;
	s20 =	sshll.u32 s6, $0x1;
	s6 =	sadd.s32 s21, s4  }
0x9e: {  	[timem:s8], [sflag:s22] =	dma.local [hbm:s6], s20  }
0x9f: {  	_ =	swait.ge [sflag:s22], s20  }
0xa0: {  	s5 =	ssub.s32 $0x0, s20;
	[sflag:s22] =	ssyncset.done $0x0  }
0xa1: {  	[sflag:s22] =	ssyncadd.s32 s5;
	_ =	sdelay $0x1  }
0xa2: {  	s23 =	simm.s32 $0x1B8B  }
0xa3: {  	_ =	swait.ge [sflag:s23], $0x1  }
0xa4: {  	[sflag:s23] =	ssyncset.done $0x0  }
0xa5: {  	s25 =	simm.s32 $0x1B8E;
	s24 =	sld [smem:$0x3FFE];
	[sflag:s23] =	ssyncadd.s32 $0xFFFFFFFF  }
0xa6: {  	s26 =	simm.s32 $execute0_lowered;
	[smem:$0x3FD2] =	sst s25  }
0xa7: {  	s6 =	sshll.u32 s26, $0x1;
	_ =	strace $0x80000046;
	[dreg:$0x1] =	wrdreg $0xFFFFFFFF  }
0xa8: {  	s28 =	simm.s32 $_size_execute0_lowered;
	s4 =	sadd.s32 s4, s6;
	[dreg:$0x0] =	wrdreg $0x0  }
0xa9: {  	s6 =	sshll.u32 s28, $0x1;
	[dreg:$0x2] =	wrdreg s4  }
0xaa: {  	[dreg:$0x3] =	wrdreg s6  }
0xab: {  	[dreg:$0x4] =	wrdreg $0xC0  }
0xac: {  	_ =	task [dreg:s8], $0x5FFFF  }
0xad: {  	[dreg:$0x1] =	wrdreg $0xFFFFFFFF  }
0xae: {  	[dreg:$0x0] =	wrdreg $0x60  }
0xaf: {  	[dreg:$0x2] =	wrdreg s2  }
0xb0: {  	[dreg:$0x3] =	wrdreg s24  }
0xb1: {  	[dreg:$0x4] =	wrdreg s18  }
0xb2: {  	[dreg:$0x5] =	wrdreg $0x9  }
0xb3: {  	_ =	task.clear_ibuf [dreg:s8], $0x6FFFF;
	_ =	strace $0x90000046  }
0xb4: {  	s29 =	simm.s32 $0x9;
	_ =	strace $0x80000048  }
0xb5: {  	_ =	swait.ge [sflag:s29], $0x1  }
0xb6: {  	[sflag:s29] =	ssyncadd.s32 $0xFFFFFFFF  }
0xb7: {  	_ =	strace $0x90000048  }
0xb8: {  	_ =	sfence  }
0xb9: {  	s30 =	sld [smem:$0x0];
	_ =	sdelay $0x2  }
0xba: {  	s31 =	sshll.u32 s1, $0xD;
	s1 =	sshrl.u32 s1, $0x2  }
0xbb: {  	s3 =	sand.u32 $0x4000, s31;
	s1 =	sadd.s32 s1, s30  }
0xbc: {  	s0 =	sor.u32 s3, s0;
	s1 =	sshll.u32 s1, $0x11  }
0xbd: {  	s0 =	sor.u32 s1, s0  }
0xbe: {  	s0 =	sadd.s32 $0x8F2B, s0  }
0xbf: {  	[sflag:s0] =	ssyncadd.remote.s32 $0x1  }
0xc0: {  	_ =	sfence.sel $0xFFFF  }
0xc1: {  	[dreg:$0x0] =	wrdreg $0xFFFFFFFF;
	(pc) =	sbr.abs _section_cstart, $3  }
0xc2: {  	[dreg:$0x1] =	wrdreg $0xFFFFFFFF  }
0xc3: {  	_ =	task.clear_ibuf [dreg:s8], $0x2FFFF;
	_ =	strace $0x9FFFFFFF  }
0xc4: {  	(tm) =	ssettm $0x7FFFFFFF  }
0xc5: {  	_ =	shalt  }
tec
execute0_lowered:
.L_overlay_start_1:
0x0: {  	(tag) =	ssettag $0x1  }
0x1: {  	s13 =	rddreg [dreg:$0x0]  }
0x2: {  	s3 =	rddreg [dreg:$0x1]  }
0x3: {  	s12 =	rddreg [dreg:$0x2]  }
0x4: {  	s0 =	rddreg [dreg:$0x3]  }
0x5: {  	s4 =	srdreg.scid;
	s1 =	stileid.u32;
	s2 =	simm.s32 $0x0  }
0x6: {  	s18 =	simm.s32 $0x5;
	s19 =	simm.s32 $0x20;
	s20 =	simm.s32 $0x80  }
0x7: {  	s21 =	simm.s32 $0x2;
	s22 =	simm.s32 $0xD480;
	s9 =	smul.u32 $0xC800, s1  }
0x8: {  	s14 =	sand.u32 $0x1, s4;
	s23 =	sshll.u32 s1, $0x1;
	s16 =	smul.u32 $0xC8000, s1  }
0x9: {  	[smem:$0x7FF] =	sst s2;
	s3 =	sadd.s32 $0xF42800, s3;
	s26 =	smul.u32 $0x6400, s14  }
0xa: {  	s5 =	ssub.s32 $0x2, s14;
	s6 =	sor.u32 s14, s23;
	s14 =	smul.u32 $0x64000, s14  }
0xb: {  	_ =	strace $0x80000047;
	s23 =	simm.s32 $0x3;
	s7 =	smul.u32 $0x6400, s6  }
0xc: {  	s24 =	sshrl.u32 s5, $0x1;
	s11 =	smul.u32 $0x64000, s6;
	s16 =	sadd.s32 s16, s12  }
0xd: {  	s8 =	ssub.s32 s5, s24;
	s15 =	sadd.s32 s26, s9;
	s14 =	sadd.s32 s14, s16  }
0xe: {  	s16 =	simm.s32 $0x1;
	s24 =	simm.s32 $0x4;
	s25 =	sshrl.u32 s7, $0x3  }
0xf: {  	s10 =	sadd.s32 $0x640, s7;
	s6 =	smax.u32 s8, $0x1;
	s7 =	sadd.s32 s12, s11  }
0x10: {  	s30 =	sadd.s32 $0x1F40, s15;
	s17 =	sshll.u32 s15, $0x4;
	s15 =	sadd.s32 $0x1900, s15  }
0x11: {  	s14 =	sadd.s32 $0xC800, s14;
	s4 =	sadd.s32 s13, s25;
	s28 =	sshrl.u32 s10, $0x3  }
.Ltmp0:
0x12: {  	s29 =	sshll.u32 s10, $0x4;
	s31 =	sshrl.u32 s30, $0x3;
	(pc) =	sbr.rel .LBB2_1-.Ltmp0, $4  }
0x13: {  	s17 =	sadd.s32 s12, s17;
	s15 =	sshrl.u32 s15, $0x3;
	s25 =	simm.s32 $0x0  }
0x14: {  	s5 =	sadd.s32 s13, s28;
	s8 =	sadd.s32 $0x190, s4;
	s9 =	sadd.s32 s12, s29  }
0x15: {  	s10 =	sadd.s32 $0x258, s4;
	s11 =	sadd.s32 s31, s13;
	s12 =	sadd.s32 $0x12C00, s17  }
0x16: {  	s13 =	sadd.s32 s15, s13;
	s15 =	simm.s32 $0x640;
	s17 =	simm.s32 $0xC80  }
.LBB2_4:
0x17: {  	s25 =	sadd.s32 $0x1, s25  }
0x18: {  	_ =	swait.ge [sflag:s23], $0xC800;
	p0 =	sne.s32 s25, s6  }
.Ltmp1:
0x19: {  	[sflag:s23] =	ssyncset.done $0x0;
	(pc) =	sbr.rel @!p0 .LBB2_5-.Ltmp1, $4  }
0x1a: {  	[sflag:s23] =	ssyncadd.s32 $0xFFFF3800  }
0x1b: {  	_ =	swait.ge [sflag:s24], $0xC800  }
0x1c: {  	[sflag:s24] =	ssyncset.done $0x0  }
0x1d: {  	[sflag:s24] =	ssyncadd.s32 $0xFFFF3800  }
.LBB2_1:
0x1e: {  	[tilespmem:s2], [sflag:$0x1] =	stream.linear.gather [hbm4b:s4+s2], $0x640, $0x38;
	[tilespmem:$0x19C80] =	vst v63  }
0x1f: {  	_ = 	snop  }
0x20: {  	[tilespmem:s15], [sflag:$0x2] =	stream.linear.gather [hbm4b:s5+s2], $0x640, $0x38;
	[tilespmem:$0x19C80] =	vst v63  }
0x21: {  	_ =	swait.ge [sflag:s16], $0x640  }
0x22: {  	[sflag:s16] =	ssyncset.done $0x0  }
0x23: {  	[sflag:s16] =	ssyncadd.s32 $0xFFFFF9C0  }
0x24: {  	[tilespmem:s17], [sflag:$0x5] =	stream.indirect.gather [hbm4b:s3+s15], $0x20, s2, s15, $0xb8;
	[tilespmem:$0x19C80] =	vst v63  }
0x25: {  	_ =	swait.ge [sflag:s18], $0xC800  }
0x26: {  	[sflag:s18] =	ssyncset.done $0x0  }
0x27: {  	[sflag:s18] =	ssyncadd.s32 $0xFFFF3800  }
0x28: {  	[hbm4b:s7+s19] =	stream.strided.scatter [tilespmem:s17], [sflag:$0x3], $0xC800, s20, s19, $0x38;
	[tilespmem:$0x19C80] =	vst v63  }
0x29: {  	_ = 	snop  }
0x2a: {  	[tilespmem:s2], [sflag:$0x1] =	stream.linear.gather [hbm4b:s8+s2], $0x640, $0x38;
	[tilespmem:$0x19C80] =	vst v63  }
0x2b: {  	_ =	swait.ge [sflag:s21], $0x640  }
0x2c: {  	[sflag:s21] =	ssyncset.done $0x0  }
0x2d: {  	[sflag:s21] =	ssyncadd.s32 $0xFFFFF9C0  }
0x2e: {  	[tilespmem:s22], [sflag:$0x5] =	stream.indirect.gather [hbm4b:s3+s15], $0x20, s15, s15, $0xb8;
	[tilespmem:$0x19C80] =	vst v63  }
0x2f: {  	_ =	swait.ge [sflag:s18], $0xC800  }
0x30: {  	[sflag:s18] =	ssyncset.done $0x0  }
0x31: {  	[sflag:s18] =	ssyncadd.s32 $0xFFFF3800  }
0x32: {  	[hbm4b:s9+s19] =	stream.strided.scatter [tilespmem:s22], [sflag:$0x4], $0xC800, s20, s19, $0x38;
	[tilespmem:$0x19C80] =	vst v63  }
0x33: {  	s26 =	smov.u32 s14;
	s28 =	smov.u32 s12;
	s29 =	simm.s32 $0x0  }
0x34: {  	[tilespmem:s15], [sflag:$0x2] =	stream.linear.gather [hbm4b:s10+s2], $0x640, $0x38;
	[tilespmem:$0x19C80] =	vst v63  }
.LBB2_2:
0x35: {  	_ =	swait.ge [sflag:s16], $0x640  }
0x36: {  	[sflag:s16] =	ssyncset.done $0x0  }
0x37: {  	[sflag:s16] =	ssyncadd.s32 $0xFFFFF9C0  }
0x38: {  	_ =	swait.ge [sflag:s23], $0xC800  }
0x39: {  	[sflag:s23] =	ssyncset.done $0x0  }
0x3a: {  	[sflag:s23] =	ssyncadd.s32 $0xFFFF3800  }
0x3b: {  	[tilespmem:s17], [sflag:$0x5] =	stream.indirect.gather [hbm4b:s3+s15], $0x20, s2, s15, $0xb8;
	[tilespmem:$0x19C80] =	vst v63  }
0x3c: {  	_ =	swait.ge [sflag:s18], $0xC800  }
0x3d: {  	[sflag:s18] =	ssyncset.done $0x0  }
0x3e: {  	p0 =	seq.s32 s29, $0x960;
	[sflag:s18] =	ssyncadd.s32 $0xFFFF3800  }
0x3f: {  	[hbm4b:s26+s19] =	stream.strided.scatter [tilespmem:s17], [sflag:$0x3], $0xC800, s20, s19, $0x38;
	[tilespmem:$0x19C80] =	vst v63  }
0x40: {  	s30 =	sadd.s32 @!p0 s29, s13;
	s31 =	simm.s32 @!p0 $0x0  }
0x41: {  	[tilespmem:s31], [sflag:$0x1] =	stream.linear.gather @!p0 [hbm4b:s30+s31], $0x640, $0x38;
	[tilespmem:$0x19C80] =	vst v63  }
0x42: {  	_ =	swait.ge [sflag:s21], $0x640  }
0x43: {  	[sflag:s21] =	ssyncset.done $0x0  }
0x44: {  	[sflag:s21] =	ssyncadd.s32 $0xFFFFF9C0  }
0x45: {  	_ =	swait.ge [sflag:s24], $0xC800  }
0x46: {  	[sflag:s24] =	ssyncset.done $0x0  }
0x47: {  	[sflag:s24] =	ssyncadd.s32 $0xFFFF3800  }
0x48: {  	[tilespmem:s22], [sflag:$0x5] =	stream.indirect.gather [hbm4b:s3+s15], $0x20, s15, s15, $0xb8;
	[tilespmem:$0x19C80] =	vst v63  }
.Ltmp2:
0x49: {  	_ = 	snop;
	(pc) =	sbr.rel @p0 .LBB2_4-.Ltmp2, $4  }
0x4a: {  	_ =	swait.ge [sflag:s18], $0xC800  }
0x4b: {  	[sflag:s18] =	ssyncset.done $0x0  }
0x4c: {  	[sflag:s18] =	ssyncadd.s32 $0xFFFF3800  }
0x4d: {  	[hbm4b:s28+s19] =	stream.strided.scatter [tilespmem:s22], [sflag:$0x4], $0xC800, s20, s19, $0x38;
	[tilespmem:$0x19C80] =	vst v63  }
.Ltmp3:
0x4e: {  	(pc) =	sbr.rel .LBB2_2-.Ltmp3, $4  }
0x4f: {  	_ = 	snop  }
0x50: {  	s30 =	sadd.s32 s29, s11  }
0x51: {  	s29 =	sadd.s32 $0x190, s29;
	s28 =	sadd.s32 $0xC800, s28;
	s26 =	sadd.s32 $0xC800, s26  }
0x52: {  	[tilespmem:s15], [sflag:$0x2] =	stream.linear.gather [hbm4b:s30+s2], $0x640, $0x38;
	[tilespmem:$0x19C80] =	vst v63  }
.LBB2_5:
0x53: {  	_ =	sfence.sel $0x180000  }
0x54: {  	[bflag:$0x0] =	sbarrier.arrive $0xFFFF  }
0x55: {  	p0 =	sne.s32 s1, $0x0;
	_ =	strace $0x90000047  }
0x56: {  	s0 =	sadd.s32 @!p0 $0x100000, s0;
	[bflag:$0x2] =	sbarrier.arrive $0xFFFF  }
0x57: {  	[sflag:s0] =	ssyncadd.tile.s32 @!p0 $0x1;
	_ =	shalt  }
.Lfunc_end2:
_tile_overlayer_lowered:
.L_overlay_start_2:
0x58: {  	(tag) =	ssettag $0x2  }
0x59: {  	s0 =	rddreg [dreg:$0x0];
	s2 =	stileid.u32  }
0x5a: {  	s1 =	rddreg [dreg:$0x1];
	p0 =	sne.s32 s2, $0x0  }
0x5b: {  	s3 =	rddreg [dreg:$0x2];
	[bflag:$0x3] =	sbarrier.arrive $0xFFFF;
	s2 =	simm.s32 @!p0 $0x1C06  }
0x5c: {  	[timem:s3], [sflag:s2] =	dma.local @!p0 [hbm:s0], s1  }
0x5d: {  	s0 =	simm.s32 @!p0 $0x6  }
0x5e: {  	_ =	swait.ge @!p0 [sflag:s0], s1  }
0x5f: {  	s1 =	ssub.s32 @!p0 $0x0, s1;
	[sflag:s0] =	ssyncset.done @!p0 $0x0  }
0x60: {  	[sflag:s0] =	ssyncadd.s32 @!p0 s1  }
0x61: {  	[bflag:$0x3] =	sbarrier.arrive $0xFFFF  }
0x62: {  	_ =	shalt  }

</sc_bundles>
